<compile_context>
chip_gen: v7x
topology: tpu7x:2x2x1
jax: 0.10.2.dev20260603
libtpu: 0.0.44.dev20260713+nightly
codegen_flags: <defaults>
</compile_context>

<pallas_src>
import functools

import jax
import jax.numpy as jnp
from jax.experimental import pallas as pl
from jax.experimental.pallas import tpu as pltpu

_ALPHA = 0.5
_R = 784


def _body(lt2_ref, labels_ref, emb_ref, out_ref, *, C, D):
    step = pl.program_id(0)

    A = emb_ref[...]
    lt2 = lt2_ref[...]
    lab = labels_ref[...]

    h = A * (A - lt2)
    gsel = (jax.lax.broadcasted_iota(jnp.int32, (128, 4), 0) // D
            == jax.lax.broadcasted_iota(jnp.int32, (128, 4), 1)
            ).astype(jnp.float32)
    s4 = jax.lax.dot_general(
        h, gsel,
        dimension_numbers=(((2,), (0,)), ((), ())),
        preferred_element_type=jnp.float32)
    lsq = jnp.sum(lt2 * lt2, axis=2, keepdims=True) / 16.0
    d = s4 + lsq

    m = jnp.max(lab, axis=2, keepdims=True)
    iota_c = jax.lax.broadcasted_iota(jnp.int32, lab.shape, 2)
    is_max = lab == m
    first_idx = jnp.min(jnp.where(is_max, iota_c, C), axis=2, keepdims=True)
    last_idx = jnp.max(jnp.where(is_max, iota_c, -1), axis=2, keepdims=True)

    j4 = (4 * jax.lax.broadcasted_iota(jnp.int32, d.shape, 1)
          + jax.lax.broadcasted_iota(jnp.int32, d.shape, 2))
    valid = j4 < C

    d_correct = jnp.sum(
        jnp.where(j4 == first_idx, d, 0.0), axis=(1, 2))
    hardest = jnp.min(
        jnp.where(valid & (j4 != last_idx), d, jnp.float32(jnp.inf)),
        axis=(1, 2))
    loss = jnp.sum(jnp.maximum(d_correct - _ALPHA * hardest, 0.0))

    @pl.when(step == 0)
    def _init():
        out_ref[...] = jnp.zeros_like(out_ref)

    out_ref[...] = out_ref[...] + loss


def kernel(logits, labels, ans_emb, print_info):
    B, C = labels.shape
    D = logits.shape[1]
    nb = 8
    flat = ans_emb.reshape(B, C * D)
    flat_p = jnp.pad(flat, ((0, 0), (0, _R * 128 - C * D))).reshape(
        B, _R, 128)
    lt2 = jnp.tile(2.0 * logits, (1, 4)).reshape(B, 1, 4 * D)
    body = functools.partial(_body, C=C, D=D)
    out = pl.pallas_call(
        body,
        grid=(B // nb,),
        in_specs=[
            pl.BlockSpec((nb, 1, 4 * D), lambda i: (i, 0, 0)),
            pl.BlockSpec((nb, 1, C), lambda i: (i, 0, 0)),
            pl.BlockSpec((nb, _R, 128), lambda i: (i, 0, 0)),
        ],
        out_specs=pl.BlockSpec((1, 1), lambda i: (0, 0)),
        out_shape=jax.ShapeDtypeStruct((1, 1), jnp.float32),
    )(lt2, labels.reshape(B, 1, C), flat_p)
    return out[0, 0]

# --- scband reference (transcript-rebuilt; emitter-appended) ---
"""Pipeline reference for scband-discriminative-loss-47141561041386 (READ-ONLY COPY).

The authoritative reference and input builder live on the scoring server;
editing this copy changes nothing except your own understanding.
"""

import jax, jax.numpy as jnp
import numpy as np

ALPHA = 0.5


def setup_inputs(seed: int = 0) -> dict:
    key = jax.random.key(seed)
    k1, k2, k3 = jax.random.split(key, 3)
    logits = jax.random.normal(k1, (1024, 32), dtype=jnp.float32)
    labels = jax.random.uniform(k2, (1024, 3129), dtype=jnp.float32)
    ans_emb = jax.random.normal(k3, (1024, 3129, 32), dtype=jnp.float32)
    return {"logits": logits, "labels": labels, "ans_emb": ans_emb, "print_info": 0}


def reference(logits, labels, ans_emb, print_info):
    C = labels.shape[1]
    max_val = jnp.max(labels, axis=1)
    idx = jnp.argmax(labels, axis=1)
    correct_class = jnp.take_along_axis(ans_emb, idx[:, None, None], axis=1)
    correct = jnp.sum((logits[:, None, :] - correct_class) ** 2, axis=2)
    uncorrect_mask = (labels < max_val[:, None]).astype(jnp.float32)
    _, idx2 = jax.lax.top_k(uncorrect_mask, C - 1)
    uncorrect_class = jnp.take_along_axis(ans_emb, idx2[:, :, None], axis=1)
    uncorrect = jnp.sum((logits[:, None, :] - uncorrect_class) ** 2, axis=2)
    hardest_negative = ALPHA * jnp.min(uncorrect, axis=1)
    loss = jnp.squeeze(correct, axis=1) - hardest_negative
    loss = jnp.maximum(loss, 0.0)
    return jnp.sum(loss)

if __name__ == "__main__":
    import jax
    _d = setup_inputs()
    print(jax.jit(kernel)(*tuple(_d.values())))

</pallas_src>

<mosaic_0001>
module attributes {stable_mosaic.version = 14 : i64} {
  func.func @_body(%arg0: i32, %arg1: memref<8x1x128xf32, #tpu.memory_space<vmem>>, %arg2: memref<8x1x3129xf32, #tpu.memory_space<vmem>>, %arg3: memref<8x784x128xf32, #tpu.memory_space<vmem>>, %arg4: memref<1x1xf32, #tpu.memory_space<vmem>>) attributes {dimension_semantics = [#tpu.dimension_semantics<arbitrary>], iteration_bounds = array<i64: 128>, scalar_prefetch = 0 : i64, scratch_operands = 0 : i64, tpu.core_type = #tpu.core_type<tc>, window_params = [{transform_indices = @transform_0, window_bounds = array<i64: 8, 1, 128>}, {transform_indices = @transform_1, window_bounds = array<i64: 8, 1, 3129>}, {transform_indices = @transform_2, window_bounds = array<i64: 8, 784, 128>}, {pipeline_mode = #tpu.pipeline_mode<synchronous>, transform_indices = @transform_3, window_bounds = array<i64: 1, 1>}]} {
    %get3A = arith.constant 0 : index
    %get3A_0 = arith.constant 0 : index
    %get3A_1 = arith.constant 0 : index
    %get3A_2 = vector.load %arg3[%get3A, %get3A_0, %get3A_1] : memref<8x784x128xf32, #tpu.memory_space<vmem>>, vector<8x784x128xf32>
    %get3A_3 = arith.constant 0 : index
    %get3A_4 = arith.constant 0 : index
    %get3A_5 = arith.constant 0 : index
    %get3A_6 = vector.load %arg1[%get3A_3, %get3A_4, %get3A_5] : memref<8x1x128xf32, #tpu.memory_space<vmem>>, vector<8x1x128xf32>
    %get3A_7 = arith.constant 0 : index
    %get3A_8 = arith.constant 0 : index
    %get3A_9 = arith.constant 0 : index
    %get3A_10 = vector.load %arg2[%get3A_7, %get3A_8, %get3A_9] : memref<8x1x3129xf32, #tpu.memory_space<vmem>>, vector<8x1x3129xf32>
    %sub3A = vector.broadcast %get3A_6 : vector<8x1x128xf32> to vector<8x784x128xf32>
    %sub3A_11 = arith.subf %get3A_2, %sub3A : vector<8x784x128xf32>
    %mul3A = arith.mulf %get3A_2, %sub3A_11 : vector<8x784x128xf32>
    %iota3A = tpu.iota {dimensions = array<i32: 0>} : vector<128x4xi32>
    %jit3A = arith.constant 32 : i32
    %div3A = vector.broadcast %jit3A : i32 to vector<128x4xi32>
    %div3A_12 = arith.divsi %iota3A, %div3A : vector<128x4xi32>
    %sign3A = arith.constant 0 : i32
    %sign3A_13 = vector.broadcast %sign3A : i32 to vector<128x4xi32>
    %sign3A_14 = arith.cmpi sgt, %iota3A, %sign3A_13 : vector<128x4xi32>
    %sign3A_15 = arith.extui %sign3A_14 : vector<128x4xi1> to vector<128x4xi32>
    %sign3A_16 = arith.constant 0 : i32
    %sign3A_17 = vector.broadcast %sign3A_16 : i32 to vector<128x4xi32>
    %sign3A_18 = arith.cmpi slt, %iota3A, %sign3A_17 : vector<128x4xi32>
    %sign3A_19 = arith.extui %sign3A_18 : vector<128x4xi1> to vector<128x4xi32>
    %sign3A_20 = arith.subi %sign3A_15, %sign3A_19 : vector<128x4xi32>
    %sign3A_21 = arith.constant 0 : i32
    %sign3A_22 = arith.cmpi sgt, %jit3A, %sign3A_21 : i32
    %sign3A_23 = arith.extui %sign3A_22 : i1 to i32
    %sign3A_24 = arith.constant 0 : i32
    %sign3A_25 = arith.cmpi slt, %jit3A, %sign3A_24 : i32
    %sign3A_26 = arith.extui %sign3A_25 : i1 to i32
    %sign3A_27 = arith.subi %sign3A_23, %sign3A_26 : i32
    %ne3A = vector.broadcast %sign3A_27 : i32 to vector<128x4xi32>
    %ne3A_28 = arith.cmpi ne, %sign3A_20, %ne3A : vector<128x4xi32>
    %rem3A = vector.broadcast %jit3A : i32 to vector<128x4xi32>
    %rem3A_29 = arith.remsi %iota3A, %rem3A : vector<128x4xi32>
    %ne3A_30 = arith.constant 0 : i32
    %ne3A_31 = vector.broadcast %ne3A_30 : i32 to vector<128x4xi32>
    %ne3A_32 = arith.cmpi ne, %rem3A_29, %ne3A_31 : vector<128x4xi32>
    %and3A = arith.andi %ne3A_28, %ne3A_32 : vector<128x4xi1>
    %sub3A_33 = arith.constant 1 : i32
    %sub3A_34 = vector.broadcast %sub3A_33 : i32 to vector<128x4xi32>
    %sub3A_35 = arith.subi %div3A_12, %sub3A_34 : vector<128x4xi32>
    %select_n3A = arith.select %and3A, %sub3A_35, %div3A_12 : vector<128x4xi1>, vector<128x4xi32>
    %iota3A_36 = tpu.iota {dimensions = array<i32: 1>} : vector<128x4xi32>
    %eq3A = arith.cmpi eq, %select_n3A, %iota3A_36 : vector<128x4xi32>
    %convert_element_type3A = arith.extui %eq3A : vector<128x4xi1> to vector<128x4xi32>
    %convert_element_type3A_37 = arith.sitofp %convert_element_type3A : vector<128x4xi32> to vector<128x4xf32>
    %dot_general3A = arith.constant dense<0.000000e+00> : vector<8x784x4xf32>
    %dot_general3A_38 = tpu.matmul %mul3A, %convert_element_type3A_37, %dot_general3A {dimension_numbers = #tpu.dot_dimension_numbers<[2], [0], [0, 1], [1], [0, 0, 0, 1, 1, 1], [], []>, transpose_lhs_hint = false} : vector<8x784x128xf32>, vector<128x4xf32>, vector<8x784x4xf32> -> vector<8x784x4xf32>
    %mul3A_39 = arith.mulf %get3A_6, %get3A_6 : vector<8x1x128xf32>
    %reduce_sum3A = arith.constant dense<0.000000e+00> : vector<8x1xf32>
    %reduce_sum3A_40 = vector.multi_reduction <add>, %mul3A_39, %reduce_sum3A [2] : vector<8x1x128xf32> to vector<8x1xf32>
    %broadcast_in_dim3A = vector.shape_cast %reduce_sum3A_40 : vector<8x1xf32> to vector<8x1x1xf32>
    %div3A_41 = arith.constant 1.600000e+01 : f32
    %div3A_42 = vector.broadcast %div3A_41 : f32 to vector<8x1x1xf32>
    %div3A_43 = arith.divf %broadcast_in_dim3A, %div3A_42 : vector<8x1x1xf32>
    %add3A = vector.broadcast %div3A_43 : vector<8x1x1xf32> to vector<8x784x4xf32>
    %add3A_44 = arith.addf %dot_general3A_38, %add3A : vector<8x784x4xf32>
    %reduce_max3A = arith.constant dense<0xFF800000> : vector<8x1xf32>
    %reduce_max3A_45 = vector.multi_reduction <maximumf>, %get3A_10, %reduce_max3A [2] : vector<8x1x3129xf32> to vector<8x1xf32>
    %broadcast_in_dim3A_46 = vector.shape_cast %reduce_max3A_45 : vector<8x1xf32> to vector<8x1x1xf32>
    %iota3A_47 = tpu.iota {dimensions = array<i32: 2>} : vector<8x1x3129xi32>
    %eq3A_48 = vector.broadcast %broadcast_in_dim3A_46 : vector<8x1x1xf32> to vector<8x1x3129xf32>
    %eq3A_49 = arith.cmpf oeq, %get3A_10, %eq3A_48 : vector<8x1x3129xf32>
    %jit3A_50 = arith.constant 3129 : i32
    %broadcast_in_dim3A_51 = vector.broadcast %jit3A_50 : i32 to vector<8x1x3129xi32>
    %select_n3A_52 = arith.select %eq3A_49, %iota3A_47, %broadcast_in_dim3A_51 : vector<8x1x3129xi1>, vector<8x1x3129xi32>
    %reduce_min3A = arith.constant dense<2147483647> : vector<8x1xi32>
    %reduce_min3A_53 = vector.multi_reduction <minsi>, %select_n3A_52, %reduce_min3A [2] : vector<8x1x3129xi32> to vector<8x1xi32>
    %broadcast_in_dim3A_54 = vector.shape_cast %reduce_min3A_53 : vector<8x1xi32> to vector<8x1x1xi32>
    %jit3A_55 = arith.constant -1 : i32
    %broadcast_in_dim3A_56 = vector.broadcast %jit3A_55 : i32 to vector<8x1x3129xi32>
    %select_n3A_57 = arith.select %eq3A_49, %iota3A_47, %broadcast_in_dim3A_56 : vector<8x1x3129xi1>, vector<8x1x3129xi32>
    %reduce_max3A_58 = arith.constant dense<-2147483648> : vector<8x1xi32>
    %reduce_max3A_59 = vector.multi_reduction <maxsi>, %select_n3A_57, %reduce_max3A_58 [2] : vector<8x1x3129xi32> to vector<8x1xi32>
    %broadcast_in_dim3A_60 = vector.shape_cast %reduce_max3A_59 : vector<8x1xi32> to vector<8x1x1xi32>
    %iota3A_61 = tpu.iota {dimensions = array<i32: 1>} : vector<8x784x4xi32>
    %mul3A_62 = arith.constant 4 : i32
    %mul3A_63 = vector.broadcast %mul3A_62 : i32 to vector<8x784x4xi32>
    %mul3A_64 = arith.muli %mul3A_63, %iota3A_61 : vector<8x784x4xi32>
    %iota3A_65 = tpu.iota {dimensions = array<i32: 2>} : vector<8x784x4xi32>
    %add3A_66 = arith.addi %mul3A_64, %iota3A_65 : vector<8x784x4xi32>
    %lt3A = arith.constant 3129 : i32
    %lt3A_67 = vector.broadcast %lt3A : i32 to vector<8x784x4xi32>
    %lt3A_68 = arith.cmpi slt, %add3A_66, %lt3A_67 : vector<8x784x4xi32>
    %eq3A_69 = vector.broadcast %broadcast_in_dim3A_54 : vector<8x1x1xi32> to vector<8x784x4xi32>
    %eq3A_70 = arith.cmpi eq, %add3A_66, %eq3A_69 : vector<8x784x4xi32>
    %jit3A_71 = arith.constant 0.000000e+00 : f32
    %broadcast_in_dim3A_72 = vector.broadcast %jit3A_71 : f32 to vector<8x784x4xf32>
    %select_n3A_73 = arith.select %eq3A_70, %add3A_44, %broadcast_in_dim3A_72 : vector<8x784x4xi1>, vector<8x784x4xf32>
    %reduce_sum3A_74 = arith.constant dense<0.000000e+00> : vector<8xf32>
    %reduce_sum3A_75 = vector.multi_reduction <add>, %select_n3A_73, %reduce_sum3A_74 [1, 2] : vector<8x784x4xf32> to vector<8xf32>
    %ne3A_76 = vector.broadcast %broadcast_in_dim3A_60 : vector<8x1x1xi32> to vector<8x784x4xi32>
    %ne3A_77 = arith.cmpi ne, %add3A_66, %ne3A_76 : vector<8x784x4xi32>
    %and3A_78 = arith.andi %lt3A_68, %ne3A_77 : vector<8x784x4xi1>
    %jit3A_79 = arith.constant 0x7F800000 : f32
    %broadcast_in_dim3A_80 = vector.broadcast %jit3A_79 : f32 to vector<8x784x4xf32>
    %select_n3A_81 = arith.select %and3A_78, %add3A_44, %broadcast_in_dim3A_80 : vector<8x784x4xi1>, vector<8x784x4xf32>
    %reduce_min3A_82 = arith.constant dense<0x7F800000> : vector<8xf32>
    %reduce_min3A_83 = vector.multi_reduction <minimumf>, %select_n3A_81, %reduce_min3A_82 [1, 2] : vector<8x784x4xf32> to vector<8xf32>
    %mul3A_84 = arith.constant 5.000000e-01 : f32
    %mul3A_85 = vector.broadcast %mul3A_84 : f32 to vector<8xf32>
    %mul3A_86 = arith.mulf %mul3A_85, %reduce_min3A_83 : vector<8xf32>
    %sub3A_87 = arith.subf %reduce_sum3A_75, %mul3A_86 : vector<8xf32>
    %max3A = arith.constant 0.000000e+00 : f32
    %max3A_88 = vector.broadcast %max3A : f32 to vector<8xf32>
    %max3A_89 = arith.maximumf %sub3A_87, %max3A_88 : vector<8xf32>
    %reduce_sum3A_90 = vector.shape_cast %max3A_89 : vector<8xf32> to vector<1x8xf32>
    %reduce_sum3A_91 = arith.constant dense<0.000000e+00> : vector<1xf32>
    %reduce_sum3A_92 = vector.multi_reduction <add>, %reduce_sum3A_90, %reduce_sum3A_91 [1] : vector<1x8xf32> to vector<1xf32>
    %reduce_sum3A_93 = vector.shape_cast %reduce_sum3A_92 : vector<1xf32> to vector<1x1xf32>
    %reduce_sum3A_94 = vector.extract %reduce_sum3A_93[0, 0] : f32 from vector<1x1xf32>
    %eq3A_95 = arith.constant 0 : i32
    %eq3A_96 = arith.cmpi eq, %arg0, %eq3A_95 : i32
    %convert_element_type3A_97 = arith.extui %eq3A_96 : i1 to i32
    %cond3A = arith.constant 0 : i32
    %cond3A_98 = arith.cmpi ne, %convert_element_type3A_97, %cond3A : i32
    scf.if %cond3A_98 {
      %broadcast_in_dim3A_106 = arith.constant 0.000000e+00 : f32
      %broadcast_in_dim3A_107 = vector.broadcast %broadcast_in_dim3A_106 : f32 to vector<1x1xf32>
      %swap3A_108 = arith.constant 0 : index
      %swap3A_109 = arith.constant 0 : index
      %swap3A_110 = vector.load %arg4[%swap3A_108, %swap3A_109] : memref<1x1xf32, #tpu.memory_space<vmem>>, vector<1x1xf32>
      tpu.vector_store %arg4[%swap3A_108, %swap3A_109], %broadcast_in_dim3A_107 {strides = array<i32>} : memref<1x1xf32, #tpu.memory_space<vmem>>, vector<1x1xf32>,
    } else {
    }
    %get3A_99 = arith.constant 0 : index
    %get3A_100 = arith.constant 0 : index
    %get3A_101 = vector.load %arg4[%get3A_99, %get3A_100] : memref<1x1xf32, #tpu.memory_space<vmem>>, vector<1x1xf32>
    %add3A_102 = vector.broadcast %reduce_sum3A_94 : f32 to vector<1x1xf32>
    %add3A_103 = arith.addf %get3A_101, %add3A_102 : vector<1x1xf32>
    %swap3A = arith.constant 0 : index
    %swap3A_104 = arith.constant 0 : index
    %swap3A_105 = vector.load %arg4[%swap3A, %swap3A_104] : memref<1x1xf32, #tpu.memory_space<vmem>>, vector<1x1xf32>
    tpu.vector_store %arg4[%swap3A, %swap3A_104], %add3A_103 {strides = array<i32>} : memref<1x1xf32, #tpu.memory_space<vmem>>, vector<1x1xf32>,
    return
  }
  func.func @transform_0(%arg0: i32) -> (i32, i32, i32) {
    %c0_i32 = arith.constant 0 : i32
    %c0_i32_0 = arith.constant 0 : i32
    %c0_i32_1 = arith.constant 0 : i32
    return %arg0, %c0_i32, %c0_i32_0 : i32, i32, i32
  }
  func.func @transform_1(%arg0: i32) -> (i32, i32, i32) {
    %c0_i32 = arith.constant 0 : i32
    %c0_i32_0 = arith.constant 0 : i32
    %c0_i32_1 = arith.constant 0 : i32
    return %arg0, %c0_i32, %c0_i32_0 : i32, i32, i32
  }
  func.func @transform_2(%arg0: i32) -> (i32, i32, i32) {
    %c0_i32 = arith.constant 0 : i32
    %c0_i32_0 = arith.constant 0 : i32
    %c0_i32_1 = arith.constant 0 : i32
    return %arg0, %c0_i32, %c0_i32_0 : i32, i32, i32
  }
  func.func @transform_3(%arg0: i32) -> (i32, i32) {
    %c0_i32 = arith.constant 0 : i32
    %c0_i32_0 = arith.constant 0 : i32
    %c0_i32_1 = arith.constant 0 : i32
    return %c0_i32, %c0_i32_0 : i32, i32
  }
}

</mosaic_0001>

<sc_bundles>
// kernel: sparse-core-data-format-call.1.cloned.1.call-start
scs
called_computation.1_lowered:
.L_overlay_start_0:
0x0: {  	s2 =	sld [smem:$0x3FD9]  }
0x1: {  	s3 =	sld [smem:$0x3FFE];
	_ =	sdelay $0x1  }
0x2: {  	s1 =	srdreg.scid  }
0x3: {  	s0 =	sand.u32 $0x1, s1  }
0x4: {  	s18 =	sshll.u32 s0, $0xA;
	s2 =	sadd.s32 s3, s2  }
0x5: {  	s2 =	sadd.s32 s2, s18  }
0x6: {  	[smem:$0x3FC5] =	sst s2  }
0x7: {  	_ = 	snop  }
0x8: {  	s2 =	sld [smem:$0x3FC7];
	(tm) =	ssettm $0x1  }
0x9: {  	s19 =	sld [smem:$0x3FFB];
	_ =	sdelay $0x3  }
0xa: {  	_ =	strace s19  }
0xb: {  	s3 =	sld [smem:$0x3FFC];
	_ =	sdelay $0x3  }
0xc: {  	_ =	strace s3  }
0xd: {  	s3 =	sld [smem:$0x3FFD];
	_ =	sdelay $0x3  }
0xe: {  	_ =	strace s3  }
0xf: {  	_ =	strace $0x8FFFFFFF  }
0x10: {  	s20 =	sld [smem:$0x3FDB];
	_ =	sdelay $0x1  }
0x11: {  	s4 =	simm.s32 $_scs_section_size  }
0x12: {  	s5 =	simm.s32 $_size__tile_overlayer_lowered;
	s6 =	simm.s32 $_tile_overlayer_lowered  }
0x13: {  	s23 =	simm.s32 $0x1BFF;
	s22 =	sshll.u32 s6, $0x1;
	s3 =	sadd.s32 s4, s20  }
0x14: {  	s7 =	simm.s32 $0x0;
	s21 =	sshll.u32 s5, $0x1;
	s5 =	sadd.s32 s22, s3  }
0x15: {  	[timem:s7], [sflag:s23] =	dma.local [hbm:s5], s21  }
0x16: {  	_ =	swait.ge [sflag:s23], s21  }
0x17: {  	s4 =	ssub.s32 $0x0, s21;
	[sflag:s23] =	ssyncset.done $0x0  }
0x18: {  	[sflag:s23] =	ssyncadd.s32 s4;
	_ =	sdelay $0x1  }
0x19: {  	s24 =	simm.s32 $0x1B8B  }
0x1a: {  	_ =	swait.ge [sflag:s24], $0x1  }
0x1b: {  	[sflag:s24] =	ssyncset.done $0x0  }
0x1c: {  	s26 =	simm.s32 $0x1B8E;
	s25 =	sld [smem:$0x3FFE];
	[sflag:s24] =	ssyncadd.s32 $0xFFFFFFFF  }
0x1d: {  	s27 =	simm.s32 $execute0_lowered;
	[smem:$0x3FD2] =	sst s26  }
0x1e: {  	s5 =	sshll.u32 s27, $0x1;
	_ =	strace $0x80000046;
	[dreg:$0x1] =	wrdreg $0xFFFFFFFF  }
0x1f: {  	s28 =	simm.s32 $_size_execute0_lowered;
	s3 =	sadd.s32 s3, s5;
	[dreg:$0x0] =	wrdreg $0x0  }
0x20: {  	s5 =	sshll.u32 s28, $0x1;
	[dreg:$0x2] =	wrdreg s3  }
0x21: {  	[dreg:$0x3] =	wrdreg s5  }
0x22: {  	[dreg:$0x4] =	wrdreg $0xC0  }
0x23: {  	_ =	task [dreg:s7], $0x5FFFF  }
0x24: {  	[dreg:$0x1] =	wrdreg $0xFFFFFFFF  }
0x25: {  	[dreg:$0x0] =	wrdreg $0x60  }
0x26: {  	[dreg:$0x2] =	wrdreg s2  }
0x27: {  	[dreg:$0x3] =	wrdreg s25  }
0x28: {  	[dreg:$0x4] =	wrdreg $0x9  }
0x29: {  	_ =	task.clear_ibuf [dreg:s7], $0x5FFFF;
	_ =	strace $0x90000046  }
0x2a: {  	s29 =	simm.s32 $0x9;
	_ =	strace $0x80000048  }
0x2b: {  	_ =	swait.ge [sflag:s29], $0x1  }
0x2c: {  	[sflag:s29] =	ssyncadd.s32 $0xFFFFFFFF  }
0x2d: {  	_ =	strace $0x90000048  }
0x2e: {  	_ =	sfence  }
0x2f: {  	s30 =	sld [smem:$0x0];
	_ =	sdelay $0x2  }
0x30: {  	s31 =	sshll.u32 s1, $0xD;
	s1 =	sshrl.u32 s1, $0x2  }
0x31: {  	s3 =	sand.u32 $0x4000, s31;
	s1 =	sadd.s32 s1, s30  }
0x32: {  	s0 =	sor.u32 s3, s0;
	s1 =	sshll.u32 s1, $0x11  }
0x33: {  	s0 =	sor.u32 s1, s0  }
0x34: {  	s0 =	sadd.s32 $0x8F2B, s0  }
0x35: {  	[sflag:s0] =	ssyncadd.remote.s32 $0x1  }
0x36: {  	_ =	sfence.sel $0xFFFF  }
0x37: {  	[dreg:$0x0] =	wrdreg $0xFFFFFFFF;
	(pc) =	sbr.abs _section_cstart, $3  }
0x38: {  	[dreg:$0x1] =	wrdreg $0xFFFFFFFF  }
0x39: {  	_ =	task.clear_ibuf [dreg:s7], $0x2FFFF;
	_ =	strace $0x9FFFFFFF  }
0x3a: {  	(tm) =	ssettm $0x7FFFFFFF  }
0x3b: {  	_ =	shalt  }
tec
execute0_lowered:
.L_overlay_start_1:
0x0: {  	(tag) =	ssettag $0x1  }
0x1: {  	s0 =	srdreg.scid  }
0x2: {  	s1 =	sshll.u32 s0, $0x4  }
0x3: {  	s2 =	rddreg [dreg:$0x0];
	s0 =	stileid.u32;
	s1 =	sand.u32 $0x10, s1  }
0x4: {  	s7 =	rddreg [dreg:$0x1];
	s31 =	simm.s32 $0x2;
	s8 =	sor.u32 s0, s1  }
0x5: {  	s14 =	simm.s32 $0x0;
	s4 =	sshll.u32 s0, $0x7;
	s1 =	sshll.u32 s8, $0x5  }
0x6: {  	s13 =	simm.s32 $0x0;
	s4 =	sand.u32 $0x180, s4;
	s3 =	sand.u32 $0x380, s1  }
0x7: {  	s12 =	simm.s32 $0x0;
	s9 =	ssub.s32 $0x18700, s4;
	s5 =	ssub.s32 $0x400, s3  }
0x8: {  	s1 =	rddreg [dreg:$0x2];
	_ =	strace $0x80000047;
	s6 =	sand.u32 $0x380, s5  }
0x9: {  	s9 =	sshrl.u32 s9, $0x9;
	p0 =	sne.s32 s6, $0x0;
	s6 =	simm.s32 $0x1  }
.Ltmp0:
0xa: {  	s10 =	sshrl.u32 s5, $0xA;
	s6 =	simm.s32 @!p0 $0x0;
	(pc) =	sbr.rel .LBB1_1-.Ltmp0, $4  }
0xb: {  	s9 =	sadd.s32 $0x1, s9;
	s5 =	simm.s32 $0x1;
	s6 =	sadd.s32 s6, s10  }
0xc: {  	s7 =	sadd.s32 $0xC00, s7;
	[sflag:s5] =	ssyncpa.u1 $0x0;
	s6 =	smul.u32 s9, s6  }
0xd: {  	s8 =	sshll.u32 s8, $0x8;
	s11 =	smov.u32 s4;
	[sflag:s31] =	ssyncpa.u1 $0x0  }
0xe: {  	p0 =	por $0x0, $0x0;
	s10 =	simm.s32 $0xC3C00;
	s9 =	sadd.s32 $0x1, s6  }
.LBB1_4:
0xf: {  	s14 =	sshrl.u32 s14, $0x3  }
0x10: {  	s20 =	sshll.u32 s13, $0x3;
	s14 =	smul.u32 $0xC3C00, s14  }
0x11: {  	v5 =	vld [tilespmem:s18+$0xFFFFFFD0];
	[tilespmem:s17+$0x2040 ss:$0x81] =	vst.msk $0xffff, v4;
	s20 =	sand.u32 $0xFFFFFC00, s20  }
0x12: {  	v58 =	vld [tilespmem:s18+$0xFFFFFFE0];
	[tilespmem:s17+$0x2850 ss:$0x81] =	vst.msk $0xffff, v3;
	s30 =	sand.u32 $0x7F, s13;
	s14 =	sadd.s32 s20, s14  }
0x13: {  	s19 =	sshra.s32 s19, $0x2;
	v59 =	vld [tilespmem:s18+$0xFFFFFFF0];
	[tilespmem:s17+$0x3060 ss:$0x81] =	vst.msk $0xffff, v2;
	s13 =	sor.u32 s30, s14  }
0x14: {  	v60 =	vld [tilespmem:s18+$0x0];
	[tilespmem:s17+$0x0 ss:$0x81] =	vst.msk $0xffff, v0;
	s16 =	sadd.s32 s19, s16;
	s31 =	smulhi.u32 $0x29D96B91, s13  }
0x15: {  	v61 =	vld [tilespmem:s18+$0x10];
	[tilespmem:s16+$0x3870 ss:$0x81] =	vst.msk $0xffff, v1  }
0x16: {  	v62 =	vld [tilespmem:s18+$0x20];
	s14 =	smulhi.u32 $0x29D96B91, s14;
	[tilespmem:s16+$0x810 ss:$0x81] =	vst.msk $0xffff, v5;
	s17 =	sshrl.u32 s31, $0xE  }
0x17: {  	v63 =	vld [tilespmem:s18+$0xFFFFFFC0];
	[tilespmem:s16+$0x1020 ss:$0x81] =	vst.msk $0xffff, v58;
	s17 =	smul.u32 $0x18780, s17  }
0x18: {  	[tilespmem:s16+$0x1830 ss:$0x81] =	vst.msk $0xffff, v59;
	s14 =	sshrl.u32 s14, $0xE  }
0x19: {  	[tilespmem:s16+$0x2040 ss:$0x81] =	vst.msk $0xffff, v60;
	s14 =	sand.u32 $0x3FF, s14;
	s13 =	ssub.s32 s13, s17  }
0x1a: {  	[tilespmem:s16+$0x2850 ss:$0x81] =	vst.msk $0xffff, v61;
	s14 =	smul.u32 $0x30F0, s14;
	s17 =	sshrl.u32 s13, $0x3;
	s13 =	sand.u32 $0x7, s13  }
0x1b: {  	[tilespmem:s16+$0x3060 ss:$0x81] =	vst.msk $0xffff, v62;
	s17 =	sadd.s32 s7, s17;
	s13 =	sshll.u32 s13, $0x12  }
0x1c: {  	[tilespmem:s16+$0x0 ss:$0x81] =	vst.msk $0xffff, v63;
	s14 =	sadd.s32 s14, s17;
	s13 =	sor.u32 $0x400, s13  }
0x1d: {  	[hbm4b:s14+s13] =	stream.strided.scatter [tilespmem:s15], [sflag:$0x2], $0x4000, s10, s13, $0x20;
	[tilespmem:$0x10100] =	vst v63  }
.LBB1_5:
0x1e: {  	s15 =	sadd.s32 $0x200, s11  }
0x1f: {  	p2 =	sgt.s32 s15, $0x1871F  }
0x20: {  	s15 =	smov.u32 @p2 s4;
	p2 =	sne.s32 s12, s9  }
.Ltmp1:
0x21: {  	p1 =	slt.u32 s12, $0x2;
	(pc) =	sbr.rel @!p2 .LBB1_6-.Ltmp1, $4  }
0x22: {  	s14 =	simm.s32 @!p1 $0x2  }
0x23: {  	s16 =	sadd.s32 $0x1, s12;
	s13 =	smov.u32 s11;
	_ =	swait.ge @!p1 [sflag:s14], $0x4000  }
0x24: {  	p0 =	por !p0, !p0;
	s12 =	smov.u32 s16;
	[sflag:s14] =	ssyncset.done @!p1 $0x0  }
0x25: {  	s11 =	smov.u32 s15;
	[sflag:s14] =	ssyncadd.s32 @!p1 $0xFFFFC000;
	s14 =	smov.u32 s3  }
.LBB1_1:
0x26: {  	p1 =	sge.u32 s12, s6  }
0x27: {  	s15 =	sshll.u32 @!p1 s11, $0xA  }
0x28: {  	s15 =	sand.u32 @!p1 $0xFFFFE000, s15  }
0x29: {  	s15 =	sor.u32 @!p1 s8, s15  }
0x2a: {  	s17 =	smov.u32 s11;
	p2 =	sgt.s32 @!p1 s11, $0x186A0;
	s15 =	sshrl.u32 @!p1 s15, $0xA  }
0x2b: {  	s18 =	sshra.s32 @!p1 s11, $0x1F;
	p2 =	por !p2, p1;
	s16 =	smulhi.u32 @!p1 $0x53C763, s15  }
0x2c: {  	s31 =	sadd.s32 $0xFFFFFFFF, s12;
	s18 =	sand.u32 @!p1 s18, s11;
	s17 =	simm.s32 @p2 $0x186A0  }
0x2d: {  	s19 =	sxor.u32 @!p1 $0xFFFFFFFF, s12;
	s17 =	ssub.s32 @!p1 s17, s18;
	s16 =	sshrl.u32 @!p1 s16, $0x7  }
0x2e: {  	s18 =	sshll.u32 @!p1 s19, $0xE;
	s17 =	sadd.s32 @!p1 $0xFFFE7960, s17;
	s16 =	smul.u32 @!p1 $0x18720, s16  }
0x2f: {  	s19 =	simm.s32 @!p1 $0x2000;
	s18 =	sand.u32 @!p1 $0x4000, s18;
	p2 =	sgt.s32 @!p1 s17, $0x7F  }
0x30: {  	s15 =	ssub.s32 @!p1 s15, s16;
	s16 =	sshll.u32 @!p1 s17, $0x7;
	s17 =	sshll.u32 @!p1 s11, $0x4  }
0x31: {  	p2 =	por !p2, p1;
	s16 =	ssub.s32 @!p1 $0x4000, s16;
	s17 =	sand.u32 @!p1 $0x70, s17  }
0x32: {  	s15 =	sshll.u32 @!p1 s15, $0x7;
	s16 =	sand.u32 @!p1 $0x3FFFFF80, s16;
	s17 =	sadd.s32 @!p1 s2, s17  }
0x33: {  	s16 =	simm.s32 @!p2 $0x0;
	s15 =	sadd.s32 @!p1 s15, s17;
	s17 =	simm.s32 @!p1 $0x400  }
0x34: {  	[tilespmem:s18], [sflag:$0x1] =	stream.strided.gather @!p1 [hbm4b:s15+s17], s16, s19, s17, $0x38;
	[tilespmem:$0x10100] =	vst v63  }
0x35: {  	p1 =	sge.u32 s31, s6  }
.Ltmp2:
0x36: {  	_ = 	snop;
	(pc) =	sbr.rel @p1 .LBB1_5-.Ltmp2, $1  }
0x37: {  	_ =	sdelay $0x3  }
0x38: {  	p1 =	sgt.s32 s13, $0x186A0;
	s15 =	smov.u32 s13;
	s16 =	sshra.s32 s13, $0x1F  }
0x39: {  	s15 =	simm.s32 @!p1 $0x186A0;
	s16 =	sand.u32 s16, s13  }
0x3a: {  	s15 =	ssub.s32 s15, s16  }
0x3b: {  	s15 =	sadd.s32 $0xFFFE7960, s15  }
0x3c: {  	s29 =	sshll.u32 s15, $0x7  }
0x3d: {  	s16 =	ssub.s32 $0x4000, s29  }
0x3e: {  	p1 =	sgt.s32 s15, $0x7F;
	s15 =	sand.u32 $0x3FFFFF80, s16  }
0x3f: {  	s16 =	simm.s32 $0x1;
	s15 =	simm.s32 @p1 $0x0  }
0x40: {  	s16 =	simm.s32 @!p0 $0x0;
	_ =	swait.ge [sflag:s5], s15  }
0x41: {  	s17 =	sshll.u32 s16, $0xE;
	s15 =	ssub.s32 $0x0, s15;
	[sflag:s5] =	ssyncset.done $0x0  }
0x42: {  	s18 =	sor.u32 $0x40, s17;
	[sflag:s5] =	ssyncadd.s32 s15  }
0x43: {  	s30 =	smul.u32 $0x10200, s16;
	v0 =	vld [tilespmem:s18+$0x30]  }
0x44: {  	v1 =	vld [tilespmem:s18+$0xFFFFFFD0]  }
0x45: {  	s15 =	sshrl.u32 s30, $0x2;
	v5 =	vld [tilespmem:s18+$0xFFFFFFE0]  }
0x46: {  	s16 =	sor.u32 $0x8000, s15;
	v6 =	vld [tilespmem:s18+$0xFFFFFFF0]  }
0x47: {  	s31 =	sand.u32 $0x1, s12;
	v4 =	vld [tilespmem:s18+$0x0];
	s17 =	sadd.s32 $0x0, s16  }
0x48: {  	s15 =	smul.u32 $0x10200, s31;
	v3 =	vld [tilespmem:s18+$0x10];
	[tilespmem:s17+$0x3870 ss:$0x81] =	vst.msk $0xffff, v0  }
0x49: {  	v2 =	vld [tilespmem:s18+$0x20];
	[tilespmem:s17+$0x810 ss:$0x81] =	vst.msk $0xffff, v1  }
0x4a: {  	s15 =	sshrl.u32 s15, $0x2;
	v0 =	vld [tilespmem:s18+$0xFFFFFFC0];
	[tilespmem:s17+$0x1020 ss:$0x81] =	vst.msk $0xffff, v5;
	s18 =	sadd.s32 $0x80, s18  }
0x4b: {  	s19 =	simm.s32 $0x4;
	s20 =	simm.s32 $0x8;
	s15 =	sor.u32 $0x8000, s15;
	[tilespmem:s17+$0x1830 ss:$0x81] =	vst.msk $0xffff, v6;
	v1 =	vld [tilespmem:s18+$0x30]  }
.LBB1_3:
0x4c: {  	p1 =	sne.s32 s20, $0x1FC;
	v5 =	vld [tilespmem:s18+$0xFFFFFFD0];
	[tilespmem:s17+$0x2040 ss:$0x81] =	vst.msk $0xffff, v4  }
0x4d: {  	v6 =	vld [tilespmem:s18+$0xFFFFFFE0];
	[tilespmem:s17+$0x2850 ss:$0x81] =	vst.msk $0xffff, v3  }
0x4e: {  	s21 =	sshra.s32 s19, $0x2;
	s19 =	smov.u32 s20;
	v7 =	vld [tilespmem:s18+$0xFFFFFFF0];
	[tilespmem:s17+$0x3060 ss:$0x81] =	vst.msk $0xffff, v2  }
.Ltmp3:
0x4f: {  	v4 =	vld [tilespmem:s18+$0x0];
	[tilespmem:s17+$0x0 ss:$0x81] =	vst.msk $0xffff, v0;
	s17 =	sadd.s32 s21, s16;
	(pc) =	sbr.rel @p1 .LBB1_3-.Ltmp3, $4  }
0x50: {  	v3 =	vld [tilespmem:s18+$0x10];
	[tilespmem:s17+$0x3870 ss:$0x81] =	vst.msk $0xffff, v1  }
0x51: {  	[tilespmem:s17+$0x810 ss:$0x81] =	vst.msk $0xffff, v5;
	v2 =	vld [tilespmem:s18+$0x20]  }
0x52: {  	v0 =	vld [tilespmem:s18+$0xFFFFFFC0];
	[tilespmem:s17+$0x1020 ss:$0x81] =	vst.msk $0xffff, v6;
	s18 =	sadd.s32 $0x80, s18  }
0x53: {  	s20 =	sadd.s32 $0x4, s20;
	v1 =	vld [tilespmem:s18+$0x30];
	[tilespmem:s17+$0x1830 ss:$0x81] =	vst.msk $0xffff, v7  }
.Ltmp4:
0x54: {  	_ = 	snop;
	(pc) =	sbr.rel .LBB1_4-.Ltmp4, $1  }
0x55: {  	_ =	sdelay $0x3  }
.LBB1_6:
0x56: {  	_ =	sfence.sel $0x180000  }
0x57: {  	s2 =	simm.s32 $0x1;
	[bflag:$0x0] =	sbarrier.arrive $0xFFFF  }
0x58: {  	s31 =	simm.s32 $0x2;
	[sflag:s2] =	ssyncpa.u1 $0x1  }
0x59: {  	[sflag:s31] =	ssyncpa.u1 $0x1  }
0x5a: {  	p0 =	sne.s32 s0, $0x0;
	_ =	strace $0x90000047  }
0x5b: {  	s0 =	sadd.s32 @!p0 $0x100000, s1;
	[bflag:$0x2] =	sbarrier.arrive $0xFFFF  }
0x5c: {  	[sflag:s0] =	ssyncadd.tile.s32 @!p0 $0x1;
	_ =	shalt  }
.Lfunc_end1:
_tile_overlayer_lowered:
.L_overlay_start_2:
0x5d: {  	(tag) =	ssettag $0x2  }
0x5e: {  	s0 =	rddreg [dreg:$0x0];
	s2 =	stileid.u32  }
0x5f: {  	s1 =	rddreg [dreg:$0x1];
	p0 =	sne.s32 s2, $0x0  }
0x60: {  	s3 =	rddreg [dreg:$0x2];
	[bflag:$0x3] =	sbarrier.arrive $0xFFFF;
	s2 =	simm.s32 @!p0 $0x1C01  }
0x61: {  	[timem:s3], [sflag:s2] =	dma.local @!p0 [hbm:s0], s1  }
0x62: {  	s0 =	simm.s32 @!p0 $0x1  }
0x63: {  	_ =	swait.ge @!p0 [sflag:s0], s1  }
0x64: {  	s1 =	ssub.s32 @!p0 $0x0, s1;
	[sflag:s0] =	ssyncset.done @!p0 $0x0  }
0x65: {  	[sflag:s0] =	ssyncadd.s32 @!p0 s1  }
0x66: {  	[bflag:$0x3] =	sbarrier.arrive $0xFFFF  }
0x67: {  	_ =	shalt  }

// kernel: sparse-core-data-format-call.cloned.1.call-start
scs
called_computation_lowered:
.L_overlay_start_0:
0x0: {  	s1 =	sld [smem:$0x3FD9]  }
0x1: {  	s2 =	sld [smem:$0x3FFE];
	_ =	sdelay $0x1  }
0x2: {  	s3 =	srdreg.scid  }
0x3: {  	s0 =	sand.u32 $0x1, s3  }
0x4: {  	s17 =	sshll.u32 s0, $0xA;
	s1 =	sadd.s32 s2, s1  }
0x5: {  	s1 =	sadd.s32 s1, s17  }
0x6: {  	[smem:$0x3FC5] =	sst s1  }
0x7: {  	_ = 	snop  }
0x8: {  	(tm) =	ssettm $0x1  }
0x9: {  	s18 =	sld [smem:$0x3FFB];
	_ =	sdelay $0x3  }
0xa: {  	_ =	strace s18  }
0xb: {  	s1 =	sld [smem:$0x3FFC];
	_ =	sdelay $0x3  }
0xc: {  	_ =	strace s1  }
0xd: {  	s1 =	sld [smem:$0x3FFD];
	_ =	sdelay $0x3  }
0xe: {  	_ =	strace s1  }
0xf: {  	_ =	strace $0x8FFFFFFF  }
0x10: {  	s19 =	sld [smem:$0x3FDB];
	_ =	sdelay $0x1  }
0x11: {  	s20 =	simm.s32 $_scs_section_size  }
0x12: {  	s4 =	simm.s32 $_size__tile_overlayer_lowered;
	s5 =	simm.s32 $_tile_overlayer_lowered  }
0x13: {  	s23 =	simm.s32 $0x1BFF;
	s22 =	sshll.u32 s5, $0x1;
	s1 =	sadd.s32 s20, s19  }
0x14: {  	s6 =	simm.s32 $0x0;
	s21 =	sshll.u32 s4, $0x1;
	s4 =	sadd.s32 s22, s1  }
0x15: {  	[timem:s6], [sflag:s23] =	dma.local [hbm:s4], s21  }
0x16: {  	_ =	swait.ge [sflag:s23], s21  }
0x17: {  	s2 =	ssub.s32 $0x0, s21;
	[sflag:s23] =	ssyncset.done $0x0  }
0x18: {  	[sflag:s23] =	ssyncadd.s32 s2;
	_ =	sdelay $0x1  }
0x19: {  	s24 =	simm.s32 $0x1B8B  }
0x1a: {  	_ =	swait.ge [sflag:s24], $0x1  }
0x1b: {  	[sflag:s24] =	ssyncset.done $0x0  }
0x1c: {  	s26 =	simm.s32 $0x1B8E;
	s25 =	sld [smem:$0x3FFE];
	[sflag:s24] =	ssyncadd.s32 $0xFFFFFFFF  }
0x1d: {  	s27 =	simm.s32 $execute0_lowered;
	[smem:$0x3FD2] =	sst s26  }
0x1e: {  	s4 =	sshll.u32 s27, $0x1;
	_ =	strace $0x80000049;
	[dreg:$0x1] =	wrdreg $0xFFFFFFFF  }
0x1f: {  	s28 =	simm.s32 $_size_execute0_lowered;
	s1 =	sadd.s32 s1, s4;
	[dreg:$0x0] =	wrdreg $0x0  }
0x20: {  	s4 =	sshll.u32 s28, $0x1;
	[dreg:$0x2] =	wrdreg s1  }
0x21: {  	[dreg:$0x3] =	wrdreg s4  }
0x22: {  	[dreg:$0x4] =	wrdreg $0xC0  }
0x23: {  	_ =	task [dreg:s6], $0x5FFFF  }
0x24: {  	[dreg:$0x1] =	wrdreg $0xFFFFFFFF  }
0x25: {  	[dreg:$0x0] =	wrdreg $0x60  }
0x26: {  	[dreg:$0x2] =	wrdreg s25  }
0x27: {  	[dreg:$0x3] =	wrdreg $0x9  }
0x28: {  	_ =	task.clear_ibuf [dreg:s6], $0x4FFFF;
	_ =	strace $0x90000049  }
0x29: {  	s29 =	simm.s32 $0x9;
	_ =	strace $0x8000004B  }
0x2a: {  	_ =	swait.ge [sflag:s29], $0x1  }
0x2b: {  	[sflag:s29] =	ssyncadd.s32 $0xFFFFFFFF  }
0x2c: {  	_ =	strace $0x9000004B  }
0x2d: {  	_ =	sfence  }
0x2e: {  	s30 =	sld [smem:$0x0];
	_ =	sdelay $0x2  }
0x2f: {  	s31 =	sshll.u32 s3, $0xD;
	s3 =	sshrl.u32 s3, $0x2  }
0x30: {  	s2 =	sand.u32 $0x4000, s31;
	s1 =	sadd.s32 s3, s30  }
0x31: {  	s0 =	sor.u32 s2, s0;
	s1 =	sshll.u32 s1, $0x11  }
0x32: {  	s0 =	sor.u32 s1, s0  }
0x33: {  	s0 =	sadd.s32 $0x8F2B, s0  }
0x34: {  	[sflag:s0] =	ssyncadd.remote.s32 $0x1  }
0x35: {  	_ =	sfence.sel $0xFFFF  }
0x36: {  	[dreg:$0x0] =	wrdreg $0xFFFFFFFF;
	(pc) =	sbr.abs _section_cstart, $3  }
0x37: {  	[dreg:$0x1] =	wrdreg $0xFFFFFFFF  }
0x38: {  	_ =	task.clear_ibuf [dreg:s6], $0x2FFFF;
	_ =	strace $0x9FFFFFFF  }
0x39: {  	(tm) =	ssettm $0x7FFFFFFF  }
tec
execute0_lowered:
.L_overlay_start_1:
0x0: {  	(tag) =	ssettag $0x1  }
0x1: {  	s1 =	rddreg [dreg:$0x0]  }
0x2: {  	s0 =	rddreg [dreg:$0x1]  }
0x3: {  	_ =	strace $0x8000004A;
	s4 =	srdreg.scid;
	s6 =	simm.s32 $0x2  }
0x4: {  	s11 =	simm.s32 $0x0;
	p0 =	por $0x0, $0x0;
	s7 =	simm.s32 $0x18800  }
.Ltmp0:
0x5: {  	s12 =	simm.s32 $0x0;
	s9 =	simm.s32 $0x0;
	(pc) =	sbr.rel .LBB1_1-.Ltmp0, $4  }
0x6: {  	s2 =	sadd.s32 $0xC3CC00, s1;
	s3 =	sadd.s32 $0x187CC00, s1;
	s5 =	sshll.u32 s4, $0x4  }
0x7: {  	s1 =	stileid.u32;
	s4 =	simm.s32 $0x1;
	s5 =	sand.u32 $0x10, s5  }
0x8: {  	s8 =	simm.s32 $0x0;
	[sflag:s4] =	ssyncpa.u1 $0x0;
	s5 =	sor.u32 s1, s5  }
0x9: {  	[sflag:s6] =	ssyncpa.u1 $0x0;
	s6 =	simm.s32 $0x800;
	s10 =	smov.u32 s5  }
.LBB1_7:
0xa: {  	s13 =	sadd.s32 $0x10, s9  }
0xb: {  	s11 =	sadd.s32 $0x20, s10;
	s15 =	smov.u32 s10;
	p2 =	sgt.s32 s13, $0x30F  }
0xc: {  	p1 =	slt.u32 s8, $0x2;
	s15 =	smov.u32 @p2 s11  }
0xd: {  	s8 =	sadd.s32 $0x1, s8;
	s13 =	simm.s32 @p2 $0x0;
	p2 =	sgt.s32 s15, $0x7F  }
0xe: {  	s15 =	smov.u32 @p2 s5;
	p2 =	sne.s32 s8, $0xC6  }
.Ltmp1:
0xf: {  	_ = 	snop;
	(pc) =	sbr.rel @!p2 .LBB1_8-.Ltmp1, $4  }
0x10: {  	s14 =	simm.s32 @!p1 $0x2  }
0x11: {  	s12 =	smov.u32 s10;
	_ =	swait.ge @!p1 [sflag:s14], $0x4000  }
0x12: {  	p0 =	por !p0, !p0;
	s11 =	smov.u32 s9;
	[sflag:s14] =	ssyncset.done @!p1 $0x0  }
0x13: {  	s9 =	smov.u32 s13;
	[sflag:s14] =	ssyncadd.s32 @!p1 $0xFFFFC000;
	s10 =	smov.u32 s15  }
.LBB1_1:
0x14: {  	p1 =	sgt.u32 s8, $0xC3  }
0x15: {  	s13 =	smul.u32 @!p1 $0x18800, s10  }
0x16: {  	s14 =	sxor.u32 @!p1 $0xFFFFFFFF, s8  }
0x17: {  	s15 =	sshll.u32 @!p1 s9, $0x7;
	s14 =	sshll.u32 @!p1 s14, $0xE;
	s13 =	sadd.s32 @!p1 s2, s13  }
0x18: {  	s14 =	sand.u32 @!p1 $0x4000, s14;
	s13 =	sadd.s32 @!p1 s15, s13;
	s15 =	simm.s32 @!p1 $0x0  }
0x19: {  	[tilespmem:s14], [sflag:$0x1] =	stream.linear.gather @!p1 [hbm4b:s13+s15], $0x4000, $0x38;
	[tilespmem:$0x10000] =	vst v63  }
0x1a: {  	p1 =	seq.s32 s8, $0x0  }
0x1b: {  	p2 =	seq.s32 @!p1 s8, $0xC5  }
0x1c: {  	p1 =	por p1, p2  }
.Ltmp2:
0x1d: {  	_ = 	snop;
	(pc) =	sbr.rel @p1 .LBB1_7-.Ltmp2, $1  }
0x1e: {  	_ =	sdelay $0x3  }
0x1f: {  	s13 =	simm.s32 $0x1;
	_ =	swait.ge [sflag:s4], $0x4000;
	s16 =	sshll.u32 s8, $0xE  }
0x20: {  	s13 =	simm.s32 @!p0 $0x0;
	[sflag:s4] =	ssyncset.done $0x0;
	s31 =	sand.u32 $0x4000, s16  }
0x21: {  	s16 =	simm.s32 $0x0;
	s13 =	sshll.u32 s13, $0xE;
	[sflag:s4] =	ssyncadd.s32 $0xFFFFC000  }
0x22: {  	s14 =	sor.u32 $0x8040, s13;
	s15 =	sor.u32 $0x40, s13;
	s13 =	sor.u32 $0x8000, s31  }
.LBB1_3:
0x23: {  	v0 =	vmov s15;
	_ =	sdelay $0x3  }
0x24: {  	s18 =	simm.s32 $0x0  }
0x25: {  	v6 =	vld.idx.msk [tilespmem:v0+s18+$0x30 ss:$0x1], $0xffff  }
0x26: {  	v7 =	vld.idx.msk [tilespmem:v0+s18+$0xFFFFFFC0 ss:$0x1], $0xffff  }
0x27: {  	v5 =	vld.idx.msk [tilespmem:v0+s18+$0xFFFFFFD0 ss:$0x1], $0xffff  }
0x28: {  	v4 =	vld.idx.msk [tilespmem:v0+s18+$0xFFFFFFE0 ss:$0x1], $0xffff  }
0x29: {  	v3 =	vld.idx.msk [tilespmem:v0+s18+$0xFFFFFFF0 ss:$0x1], $0xffff  }
0x2a: {  	v1 =	vld.idx.msk [tilespmem:v0+s18+$0x0 ss:$0x1], $0xffff  }
0x2b: {  	v2 =	vld.idx.msk [tilespmem:v0+s18+$0x10 ss:$0x1], $0xffff;
	[tilespmem:s14+$0x30] =	vst v6  }
0x2c: {  	s17 =	simm.s32 $0x80;
	s19 =	simm.s32 $0x400;
	[tilespmem:s14+$0xFFFFFFC0] =	vst v7;
	v6 =	vld.idx.msk [tilespmem:v0+s18+$0x20 ss:$0x1], $0xffff;
	s18 =	smov.u32 s14  }
.LBB1_4:
0x2d: {  	p1 =	sne.s32 s19, $0xE00;
	v7 =	vld.idx.msk [tilespmem:v0+s17+$0x30 ss:$0x1], $0xffff;
	[tilespmem:s18+$0xFFFFFFD0] =	vst v5  }
0x2e: {  	v8 =	vld.idx.msk [tilespmem:v0+s17+$0xFFFFFFC0 ss:$0x1], $0xffff;
	[tilespmem:s18+$0xFFFFFFE0] =	vst v4  }
0x2f: {  	v5 =	vld.idx.msk [tilespmem:v0+s17+$0xFFFFFFD0 ss:$0x1], $0xffff;
	[tilespmem:s18+$0xFFFFFFF0] =	vst v3  }
.Ltmp3:
0x30: {  	v4 =	vld.idx.msk [tilespmem:v0+s17+$0xFFFFFFE0 ss:$0x1], $0xffff;
	[tilespmem:s18+$0x0] =	vst v1;
	(pc) =	sbr.rel @p1 .LBB1_4-.Ltmp3, $4  }
0x31: {  	v3 =	vld.idx.msk [tilespmem:v0+s17+$0xFFFFFFF0 ss:$0x1], $0xffff;
	[tilespmem:s18+$0x10] =	vst v2  }
0x32: {  	v1 =	vld.idx.msk [tilespmem:v0+s17+$0x0 ss:$0x1], $0xffff;
	[tilespmem:s18+$0x20] =	vst v6;
	s18 =	sadd.s32 $0x800, s18  }
0x33: {  	v2 =	vld.idx.msk [tilespmem:v0+s17+$0x10 ss:$0x1], $0xffff;
	[tilespmem:s18+$0x30] =	vst v7  }
0x34: {  	[tilespmem:s18+$0xFFFFFFC0] =	vst v8;
	v6 =	vld.idx.msk [tilespmem:v0+s17+$0x20 ss:$0x1], $0xffff;
	s17 =	sshra.s32 s19, $0x2;
	s19 =	sadd.s32 $0x200, s19  }
0x35: {  	_ =	sdelay $0x2  }
0x36: {  	[tilespmem:s18+$0xFFFFFFD0] =	vst v5  }
0x37: {  	v56 =	vld.idx.msk [tilespmem:v0+s17+$0x30 ss:$0x1], $0xffff;
	[tilespmem:s18+$0xFFFFFFE0] =	vst v4  }
0x38: {  	v57 =	vld.idx.msk [tilespmem:v0+s17+$0xFFFFFFC0 ss:$0x1], $0xffff;
	[tilespmem:s18+$0xFFFFFFF0] =	vst v3  }
0x39: {  	v58 =	vld.idx.msk [tilespmem:v0+s17+$0xFFFFFFD0 ss:$0x1], $0xffff;
	[tilespmem:s18+$0x0] =	vst v1  }
0x3a: {  	v59 =	vld.idx.msk [tilespmem:v0+s17+$0xFFFFFFE0 ss:$0x1], $0xffff;
	[tilespmem:s18+$0x10] =	vst v2  }
0x3b: {  	v60 =	vld.idx.msk [tilespmem:v0+s17+$0xFFFFFFF0 ss:$0x1], $0xffff;
	s31 =	sadd.s32 $0x800, s18;
	[tilespmem:s18+$0x20] =	vst v6  }
0x3c: {  	v61 =	vld.idx.msk [tilespmem:v0+s17+$0x0 ss:$0x1], $0xffff;
	[tilespmem:s31+$0x30] =	vst v56  }
0x3d: {  	v62 =	vld.idx.msk [tilespmem:v0+s17+$0x10 ss:$0x1], $0xffff;
	s16 =	sadd.s32 $0x1, s16;
	[tilespmem:s31+$0xFFFFFFC0] =	vst v57  }
0x3e: {  	v63 =	vld.idx.msk [tilespmem:v0+s17+$0x20 ss:$0x1], $0xffff;
	p1 =	sne.s32 s16, $0x10;
	[tilespmem:s31+$0xFFFFFFD0] =	vst v58  }
.Ltmp4:
0x3f: {  	[tilespmem:s31+$0xFFFFFFE0] =	vst v59;
	(pc) =	sbr.rel @p1 .LBB1_3-.Ltmp4, $4  }
0x40: {  	[tilespmem:s31+$0xFFFFFFF0] =	vst v60  }
0x41: {  	[tilespmem:s31+$0x0] =	vst v61  }
0x42: {  	[tilespmem:s31+$0x10] =	vst v62  }
0x43: {  	s14 =	sadd.s32 $0x80, s14;
	s15 =	sadd.s32 $0x400, s15;
	[tilespmem:s31+$0x20] =	vst v63  }
0x44: {  	s11 =	sand.u32 $0x1FFFFFF, s11  }
0x45: {  	s14 =	smulhi.u32 $0x14E5E0B, s11;
	_ =	sdelay $0x1  }
0x46: {  	s12 =	smul.u32 $0x18800, s12;
	s14 =	sshrl.u32 s14, $0x2  }
0x47: {  	s14 =	smul.u32 $0x310, s14  }
.Ltmp5:
0x48: {  	_ = 	snop;
	(pc) =	sbr.rel .LBB1_7-.Ltmp5, $4  }
0x49: {  	s11 =	ssub.s32 s11, s14  }
0x4a: {  	s12 =	sadd.s32 s3, s12;
	s11 =	sshll.u32 s11, $0x4  }
0x4b: {  	s11 =	sadd.s32 s11, s12  }
0x4c: {  	[hbm4b:s11+s6] =	stream.strided.scatter [tilespmem:s13], [sflag:$0x2], $0x4000, s7, s6, $0x38;
	[tilespmem:$0x10000] =	vst v63  }
.LBB1_8:
0x4d: {  	_ =	sfence.sel $0x180000  }
0x4e: {  	s2 =	simm.s32 $0x1;
	[bflag:$0x0] =	sbarrier.arrive $0xFFFF  }
0x4f: {  	s31 =	simm.s32 $0x2;
	[sflag:s2] =	ssyncpa.u1 $0x1  }
0x50: {  	[sflag:s31] =	ssyncpa.u1 $0x1  }
0x51: {  	p0 =	sne.s32 s1, $0x0;
	_ =	strace $0x9000004A  }
0x52: {  	s0 =	sadd.s32 @!p0 $0x100000, s0;
	[bflag:$0x2] =	sbarrier.arrive $0xFFFF  }
0x53: {  	[sflag:s0] =	ssyncadd.tile.s32 @!p0 $0x1;
	_ =	shalt  }
.Lfunc_end1:
_tile_overlayer_lowered:
.L_overlay_start_2:
0x54: {  	(tag) =	ssettag $0x2  }
0x55: {  	s0 =	rddreg [dreg:$0x0];
	s2 =	stileid.u32  }
0x56: {  	s1 =	rddreg [dreg:$0x1];
	p0 =	sne.s32 s2, $0x0  }
0x57: {  	s3 =	rddreg [dreg:$0x2];
	[bflag:$0x3] =	sbarrier.arrive $0xFFFF;
	s2 =	simm.s32 @!p0 $0x1C01  }
0x58: {  	[timem:s3], [sflag:s2] =	dma.local @!p0 [hbm:s0], s1  }
0x59: {  	s0 =	simm.s32 @!p0 $0x1  }
0x5a: {  	_ =	swait.ge @!p0 [sflag:s0], s1  }
0x5b: {  	s1 =	ssub.s32 @!p0 $0x0, s1;
	[sflag:s0] =	ssyncset.done @!p0 $0x0  }
0x5c: {  	[sflag:s0] =	ssyncadd.s32 @!p0 s1  }
0x5d: {  	[bflag:$0x3] =	sbarrier.arrive $0xFFFF  }
0x5e: {  	_ =	shalt  }

</sc_bundles>
